<compile_context>
chip_gen: v7x
topology: tpu7x:2x2x1
jax: 0.10.2.dev20260603
libtpu: 0.0.44.dev20260713+nightly
codegen_flags: <defaults>
</compile_context>

<pallas_src>
import jax
import jax.numpy as jnp
from jax import lax
from jax.experimental import pallas as pl
from jax.experimental.pallas import tpu as pltpu
from jax.experimental.pallas import tpu_sc as plsc

B = 4096
L = 50
EMB = 64
LABEL = 30
NEG = 5

NC = 2
NS = 16
NW = NC * NS
BPW = B // NW
NLANE = 16
KSUB = EMB // NLANE


def _accum(acc, buf):

  def body(r, carry):
    for k in range(KSUB):
      sl = pl.ds(k * NLANE, NLANE)
      plsc.addupdate(acc.at[r, sl], buf[r, sl])
    return carry

  lax.fori_loop(0, BPW, body, 0)


def _pool_body(xt_hbm, table_hbm, out_hbm, idx_all, buf0, buf1, acc,
               sem0, sem1):
  wid = lax.axis_index("s") * NC + lax.axis_index("c")
  base = wid * BPW

  pltpu.sync_copy(xt_hbm.at[:, pl.ds(base, BPW)], idx_all)

  def zero(r, carry):
    for k in range(KSUB):
      acc[r, pl.ds(k * NLANE, NLANE)] = jnp.zeros((NLANE,), jnp.float32)
    return carry

  lax.fori_loop(0, BPW, zero, 0)

  def gather(l, buf, sem):
    return pltpu.make_async_copy(table_hbm.at[idx_all.at[l]], buf, sem)

  gather(0, buf0, sem0).start()

  def step(i, carry):
    l0 = 2 * i
    gather(l0 + 1, buf1, sem1).start()
    gather(l0, buf0, sem0).wait()
    _accum(acc, buf0)

    @pl.when(l0 + 2 < L)
    def _():
      gather(l0 + 2, buf0, sem0).start()

    gather(l0 + 1, buf1, sem1).wait()
    _accum(acc, buf1)
    return carry

  lax.fori_loop(0, L // 2, step, 0)

  pltpu.sync_copy(acc, out_hbm.at[pl.ds(base, BPW)])


@jax.jit
def _pool(xt, table):
  mesh = plsc.VectorSubcoreMesh(
      core_axis_name="c", subcore_axis_name="s",
      num_cores=NC, num_subcores=NS)
  f = pl.kernel(
      _pool_body,
      out_type=jax.ShapeDtypeStruct((B, EMB), jnp.float32),
      mesh=mesh,
      compiler_params=pltpu.CompilerParams(use_tc_tiling_on_sc=False),
      scratch_types=[
          pltpu.VMEM((L, BPW), jnp.int32),
          pltpu.VMEM((BPW, EMB), jnp.float32),
          pltpu.VMEM((BPW, EMB), jnp.float32),
          pltpu.VMEM((BPW, EMB), jnp.float32),
          pltpu.SemaphoreType.DMA,
          pltpu.SemaphoreType.DMA,
      ],
  )
  return f(xt, table)


def _dense_body(pooled_ref, mask_ref, y_ref, ob_ref, negt_ref, w_ref,
                logit_ref, loss_ref):
  x_len = jnp.sum(mask_ref[...], axis=1, keepdims=True)
  user = pooled_ref[...] / x_len
  logit = lax.dot_general(user, w_ref[...],
                          (((1,), (1,)), ((), ())),
                          preferred_element_type=jnp.float32)
  logit_ref[...] = logit
  ob = ob_ref[...]
  wc = logit * ob
  yc = y_ref[...] * ob
  negsum = negt_ref[0]
  for n in range(1, NEG):
    negsum = negsum + negt_ref[n]
  neg_term = jnp.log(jax.nn.sigmoid(-(negsum * wc)))
  total_neg = jnp.sum(neg_term)
  pos_in = jnp.sum(wc * yc, axis=1)
  pos_loss = jnp.sum(jnp.log(jax.nn.sigmoid(pos_in)))
  loss = -(LABEL * pos_loss + total_neg) / B
  loss_ref[...] = jnp.full((8, 128), loss, jnp.float32)


@jax.jit
def _dense(pooled, x_mask, y, ob, neg_t, w):
  return pl.pallas_call(
      _dense_body,
      out_shape=[
          jax.ShapeDtypeStruct((B, LABEL), jnp.float32),
          jax.ShapeDtypeStruct((8, 128), jnp.float32),
      ],
  )(pooled, x_mask, y, ob, neg_t, w)


def kernel(x, x_mask, y, ob, neg_samples, emb_table, W):
  xt = jnp.transpose(x)
  pooled = _pool(xt, emb_table)
  neg_t = jnp.transpose(neg_samples, (1, 0, 2))
  logit, loss_tile = _dense(pooled, x_mask, y, ob, neg_t, W)
  return logit, loss_tile[0, 0]

# --- scband reference (transcript-rebuilt; emitter-appended) ---
"""Pipeline reference for scband-avg-pooling-8899172237574 (READ-ONLY COPY).

The authoritative reference and input builder live on the scoring server;
editing this copy changes nothing except your own understanding.
"""

import jax, jax.numpy as jnp
import numpy as np

VOCAB = 1000000
EMB = 64
LABEL = 30  # sum(attr_len) = 2+4+6+8+10
B = 4096
L = 50
NEG = 5


def setup_inputs(seed: int = 0) -> dict:
    key = jax.random.key(seed)
    ks = jax.random.split(key, 6)
    x = jax.random.randint(ks[0], (B, L), 0, VOCAB, dtype=jnp.int32)
    x_mask = jnp.ones((B, L), dtype=jnp.float32)
    y = jax.random.uniform(ks[1], (B, LABEL), dtype=jnp.float32)
    ob = jnp.ones((B, LABEL), dtype=jnp.float32)
    neg_samples = jax.random.uniform(ks[2], (B, NEG, LABEL), dtype=jnp.float32)
    emb_table = jax.random.normal(ks[3], (VOCAB, EMB), dtype=jnp.float32) * 0.02
    emb_table = emb_table.at[0].set(0.0)  # padding_idx=0
    W = jax.random.normal(ks[4], (LABEL, EMB), dtype=jnp.float32) * 0.02
    return {"x": x, "x_mask": x_mask, "y": y, "ob": ob,
            "neg_samples": neg_samples, "emb_table": emb_table, "W": W}


def reference(x, x_mask, y, ob, neg_samples, emb_table, W):
    # sequence lengths from mask
    x_len = jnp.sum(x_mask, axis=1)                      # [B]
    # embedding lookup (gather) -- the memory-bound core
    embed = jnp.take(emb_table, x, axis=0)               # [B, L, EMB]
    # average pooling over history
    user_rep = jnp.sum(embed, axis=1) / x_len[:, None]   # [B, EMB]
    # linear projection to label space (nn.Linear without bias)
    W_user = user_rep @ W.T                              # [B, LABEL]
    W_compact = W_user * ob
    y_c = y * ob
    # negative-sampling loss branch (use_negsample=True)
    # per-example: sigmoid(-(neg * w_c).sum(0)).log() over num_negs axis
    neg_term = jnp.log(jax.nn.sigmoid(-jnp.sum(neg_samples * W_compact[:, None, :], axis=1)))  # [B, LABEL]
    neg_loss = jnp.sum(neg_term, axis=0)                 # [LABEL]
    pos_loss = jnp.sum(jnp.log(jax.nn.sigmoid(jnp.sum(W_compact * y_c, axis=1))), axis=0)      # scalar
    loss = -jnp.sum(pos_loss + neg_loss) / W_compact.shape[0]
    logit = W_user
    return (logit, loss)

if __name__ == "__main__":
    import jax
    _d = setup_inputs()
    print(jax.jit(kernel)(*tuple(_d.values())))

</pallas_src>

<mosaic_0001>
#map = affine_map<(d0, d1) -> (0, 0)>
module attributes {stable_mosaic.version = 14 : i64} {
  func.func @_pool_body(%arg0: i32, %arg1: i32, %arg2: memref<50x4096xi32, #tpu.memory_space<hbm>>, %arg3: memref<1000000x64xf32, #tpu.memory_space<hbm>>, %arg4: memref<4096x64xf32, #tpu.memory_space<hbm>>, %arg5: memref<50x128xi32, #tpu.memory_space<vmem>>, %arg6: memref<128x64xf32, #tpu.memory_space<vmem>>, %arg7: memref<128x64xf32, #tpu.memory_space<vmem>>, %arg8: memref<128x64xf32, #tpu.memory_space<vmem>>, %arg9: memref<!tpu.dma_semaphore, #tpu.memory_space<semaphore_mem>>, %arg10: memref<!tpu.dma_semaphore, #tpu.memory_space<semaphore_mem>>) attributes {dimension_semantics = [#tpu.dimension_semantics<core_parallel>, #tpu.dimension_semantics<subcore_parallel>], iteration_bounds = array<i64: 2, 16>, scalar_prefetch = 0 : i64, scratch_operands = 6 : i64, tpu.core_type = #tpu.core_type<sc_vector_subcore>, window_params = [{transform_indices = #map}, {transform_indices = #map}, {transform_indices = #map}]} {
    %mul3A = arith.constant 2 : i32
    %mul3A_0 = arith.muli %arg1, %mul3A : i32
    %add3A = arith.addi %mul3A_0, %arg0 : i32
    %mul3A_1 = arith.constant 128 : i32
    %mul3A_2 = arith.muli %add3A, %mul3A_1 : i32
    "tpu.region"() ({
      %run_scoped3A = tpu.sem_alloc : memref<!tpu.dma_semaphore, #tpu.memory_space<semaphore_mem>>
      %dma_start3A_20 = arith.constant 0 : i32
      %dma_start3A_21 = tpu.memref_slice %arg2[%dma_start3A_20, %mul3A_2] : memref<50x4096xi32, #tpu.memory_space<hbm>> -> memref<50x128xi32, #tpu.memory_space<hbm>>
      %dma_start3A_22 = arith.constant 0 : i32
      %dma_start3A_23 = tpu.memref_slice %arg2[%dma_start3A_22, %mul3A_2] : memref<50x4096xi32, #tpu.memory_space<hbm>> -> memref<50x128xi32, #tpu.memory_space<hbm>>
      tpu.enqueue_dma source(%dma_start3A_23 : memref<50x128xi32, #tpu.memory_space<hbm>>) target(%arg5 : memref<50x128xi32, #tpu.memory_space<vmem>>) target_semaphore(%run_scoped3A : memref<!tpu.dma_semaphore, #tpu.memory_space<semaphore_mem>>)
      %dma_wait3A = arith.constant 0 : i32
      %dma_wait3A_24 = tpu.memref_slice %arg2[%dma_wait3A, %mul3A_2] : memref<50x4096xi32, #tpu.memory_space<hbm>> -> memref<50x128xi32, #tpu.memory_space<hbm>>
      %dma_wait3A_25 = arith.constant 0 : i32
      %dma_wait3A_26 = tpu.memref_slice %arg2[%dma_wait3A_25, %mul3A_2] : memref<50x4096xi32, #tpu.memory_space<hbm>> -> memref<50x128xi32, #tpu.memory_space<hbm>>
      tpu.wait_dma2 semaphore(%run_scoped3A : memref<!tpu.dma_semaphore, #tpu.memory_space<semaphore_mem>>) src(%dma_wait3A_26 : memref<50x128xi32, #tpu.memory_space<hbm>>) dst(%arg5 : memref<50x128xi32, #tpu.memory_space<vmem>>)
      tpu.yield
    }) : () -> ()
    %scan3A = arith.constant 0 : i32
    %scan3A_3 = arith.constant 0 : i32
    %scan3A_4 = arith.constant 128 : i32
    %scan3A_5 = arith.addi %scan3A_3, %scan3A_4 : i32
    %scan3A_6 = arith.constant 1 : i32
    scf.for %scan3A_20 = %scan3A_3 to %scan3A_5 step %scan3A_6  : i32 {
      %broadcast_in_dim3A = arith.constant 0.000000e+00 : f32
      %broadcast_in_dim3A_21 = vector.broadcast %broadcast_in_dim3A : f32 to vector<16xf32>
      %swap3A = arith.index_cast %scan3A_20 : i32 to index
      %swap3A_22 = arith.constant 0 : index
      %swap3A_23 = tpu.vector_load %arg8[%swap3A, %swap3A_22] {strides = array<i32>} : memref<128x64xf32, #tpu.memory_space<vmem>>, vector<1x16xf32>,
      %swap3A_24 = vector.shape_cast %swap3A_23 : vector<1x16xf32> to vector<16xf32>
      %swap3A_25 = vector.shape_cast %broadcast_in_dim3A_21 : vector<16xf32> to vector<1x16xf32>
      tpu.vector_store %arg8[%swap3A, %swap3A_22], %swap3A_25 {strides = array<i32>} : memref<128x64xf32, #tpu.memory_space<vmem>>, vector<1x16xf32>,
      %broadcast_in_dim3A_26 = arith.constant 0.000000e+00 : f32
      %broadcast_in_dim3A_27 = vector.broadcast %broadcast_in_dim3A_26 : f32 to vector<16xf32>
      %swap3A_28 = arith.index_cast %scan3A_20 : i32 to index
      %swap3A_29 = arith.constant 16 : index
      %swap3A_30 = tpu.vector_load %arg8[%swap3A_28, %swap3A_29] {strides = array<i32>} : memref<128x64xf32, #tpu.memory_space<vmem>>, vector<1x16xf32>,
      %swap3A_31 = vector.shape_cast %swap3A_30 : vector<1x16xf32> to vector<16xf32>
      %swap3A_32 = vector.shape_cast %broadcast_in_dim3A_27 : vector<16xf32> to vector<1x16xf32>
      tpu.vector_store %arg8[%swap3A_28, %swap3A_29], %swap3A_32 {strides = array<i32>} : memref<128x64xf32, #tpu.memory_space<vmem>>, vector<1x16xf32>,
      %broadcast_in_dim3A_33 = arith.constant 0.000000e+00 : f32
      %broadcast_in_dim3A_34 = vector.broadcast %broadcast_in_dim3A_33 : f32 to vector<16xf32>
      %swap3A_35 = arith.index_cast %scan3A_20 : i32 to index
      %swap3A_36 = arith.constant 32 : index
      %swap3A_37 = tpu.vector_load %arg8[%swap3A_35, %swap3A_36] {strides = array<i32>} : memref<128x64xf32, #tpu.memory_space<vmem>>, vector<1x16xf32>,
      %swap3A_38 = vector.shape_cast %swap3A_37 : vector<1x16xf32> to vector<16xf32>
      %swap3A_39 = vector.shape_cast %broadcast_in_dim3A_34 : vector<16xf32> to vector<1x16xf32>
      tpu.vector_store %arg8[%swap3A_35, %swap3A_36], %swap3A_39 {strides = array<i32>} : memref<128x64xf32, #tpu.memory_space<vmem>>, vector<1x16xf32>,
      %broadcast_in_dim3A_40 = arith.constant 0.000000e+00 : f32
      %broadcast_in_dim3A_41 = vector.broadcast %broadcast_in_dim3A_40 : f32 to vector<16xf32>
      %swap3A_42 = arith.index_cast %scan3A_20 : i32 to index
      %swap3A_43 = arith.constant 48 : index
      %swap3A_44 = tpu.vector_load %arg8[%swap3A_42, %swap3A_43] {strides = array<i32>} : memref<128x64xf32, #tpu.memory_space<vmem>>, vector<1x16xf32>,
      %swap3A_45 = vector.shape_cast %swap3A_44 : vector<1x16xf32> to vector<16xf32>
      %swap3A_46 = vector.shape_cast %broadcast_in_dim3A_41 : vector<16xf32> to vector<1x16xf32>
      tpu.vector_store %arg8[%swap3A_42, %swap3A_43], %swap3A_46 {strides = array<i32>} : memref<128x64xf32, #tpu.memory_space<vmem>>, vector<1x16xf32>,
    }
    %scan3A_7 = arith.constant 128 : i32
    %dma_start3A = arith.constant 0 : i32
    %dma_start3A_8 = arith.constant 0 : i32
    %dma_start3A_9 = tpu.memref_slice %arg5[%dma_start3A, %dma_start3A_8] : memref<50x128xi32, #tpu.memory_space<vmem>> -> memref<1x128xi32, #tpu.memory_space<vmem>>
    %dma_start3A_10 = tpu.memref_squeeze %dma_start3A_9 : memref<1x128xi32, #tpu.memory_space<vmem>> -> memref<128xi32, #tpu.memory_space<vmem>>
    %dma_start3A_11 = arith.constant 0 : i32
    %dma_start3A_12 = arith.constant 0 : i32
    %dma_start3A_13 = tpu.memref_slice %arg3[%dma_start3A_11, %dma_start3A_12] : memref<1000000x64xf32, #tpu.memory_space<hbm>> -> memref<1000000x64xf32, #tpu.memory_space<hbm>>
    tpu.enqueue_indirect_dma source(%dma_start3A_13 : memref<1000000x64xf32, #tpu.memory_space<hbm>>) target(%arg6 : memref<128x64xf32, #tpu.memory_space<vmem>>) offsets(%dma_start3A_10 : memref<128xi32, #tpu.memory_space<vmem>>) semaphore(%arg9 : memref<!tpu.dma_semaphore, #tpu.memory_space<semaphore_mem>>)
    %scan3A_14 = arith.constant 0 : i32
    %scan3A_15 = arith.constant 0 : i32
    %scan3A_16 = arith.constant 25 : i32
    %scan3A_17 = arith.addi %scan3A_15, %scan3A_16 : i32
    %scan3A_18 = arith.constant 1 : i32
    scf.for %scan3A_20 = %scan3A_15 to %scan3A_17 step %scan3A_18  : i32 {
      %mul3A_21 = arith.constant 2 : i32
      %mul3A_22 = arith.muli %mul3A_21, %scan3A_20 : i32
      %add3A_23 = arith.constant 1 : i32
      %add3A_24 = arith.addi %mul3A_22, %add3A_23 : i32
      %dma_start3A_25 = arith.constant 0 : i32
      %dma_start3A_26 = tpu.memref_slice %arg5[%add3A_24, %dma_start3A_25] : memref<50x128xi32, #tpu.memory_space<vmem>> -> memref<1x128xi32, #tpu.memory_space<vmem>>
      %dma_start3A_27 = tpu.memref_squeeze %dma_start3A_26 : memref<1x128xi32, #tpu.memory_space<vmem>> -> memref<128xi32, #tpu.memory_space<vmem>>
      %dma_start3A_28 = arith.constant 0 : i32
      %dma_start3A_29 = arith.constant 0 : i32
      %dma_start3A_30 = tpu.memref_slice %arg3[%dma_start3A_28, %dma_start3A_29] : memref<1000000x64xf32, #tpu.memory_space<hbm>> -> memref<1000000x64xf32, #tpu.memory_space<hbm>>
      tpu.enqueue_indirect_dma source(%dma_start3A_30 : memref<1000000x64xf32, #tpu.memory_space<hbm>>) target(%arg7 : memref<128x64xf32, #tpu.memory_space<vmem>>) offsets(%dma_start3A_27 : memref<128xi32, #tpu.memory_space<vmem>>) semaphore(%arg10 : memref<!tpu.dma_semaphore, #tpu.memory_space<semaphore_mem>>)
      %dma_wait3A = arith.constant 0 : i32
      %dma_wait3A_31 = tpu.memref_slice %arg5[%mul3A_22, %dma_wait3A] : memref<50x128xi32, #tpu.memory_space<vmem>> -> memref<1x128xi32, #tpu.memory_space<vmem>>
      %dma_wait3A_32 = tpu.memref_squeeze %dma_wait3A_31 : memref<1x128xi32, #tpu.memory_space<vmem>> -> memref<128xi32, #tpu.memory_space<vmem>>
      %dma_wait3A_33 = arith.constant 0 : i32
      %dma_wait3A_34 = arith.constant 0 : i32
      %dma_wait3A_35 = tpu.memref_slice %arg3[%dma_wait3A_33, %dma_wait3A_34] : memref<1000000x64xf32, #tpu.memory_space<hbm>> -> memref<1000000x64xf32, #tpu.memory_space<hbm>>
      tpu.wait_indirect_dma semaphore(%arg9 : memref<!tpu.dma_semaphore, #tpu.memory_space<semaphore_mem>>) src(%dma_wait3A_35 : memref<1000000x64xf32, #tpu.memory_space<hbm>>) dst(%arg6 : memref<128x64xf32, #tpu.memory_space<vmem>>)
      %scan3A_36 = arith.constant 0 : i32
      %scan3A_37 = arith.constant 0 : i32
      %scan3A_38 = arith.constant 128 : i32
      %scan3A_39 = arith.addi %scan3A_37, %scan3A_38 : i32
      %scan3A_40 = arith.constant 1 : i32
      scf.for %scan3A_60 = %scan3A_37 to %scan3A_39 step %scan3A_40  : i32 {
        %get3A = arith.index_cast %scan3A_60 : i32 to index
        %get3A_61 = arith.constant 0 : index
        %get3A_62 = tpu.vector_load %arg6[%get3A, %get3A_61] {strides = array<i32>} : memref<128x64xf32, #tpu.memory_space<vmem>>, vector<1x16xf32>,
        %get3A_63 = vector.shape_cast %get3A_62 : vector<1x16xf32> to vector<16xf32>
        %swap3A = arith.index_cast %scan3A_60 : i32 to index
        %swap3A_64 = arith.constant 0 : index
        %swap3A_65 = tpu.vector_load %arg8[%swap3A, %swap3A_64] {strides = array<i32>} : memref<128x64xf32, #tpu.memory_space<vmem>>, vector<1x16xf32>,
        %swap3A_66 = vector.shape_cast %swap3A_65 : vector<1x16xf32> to vector<16xf32>
        %swap3A_67 = vector.shape_cast %get3A_63 : vector<16xf32> to vector<1x16xf32>
        tpu.vector_store %arg8[%swap3A, %swap3A_64], %swap3A_67 {add = true, strides = array<i32>} : memref<128x64xf32, #tpu.memory_space<vmem>>, vector<1x16xf32>,
        %get3A_68 = arith.index_cast %scan3A_60 : i32 to index
        %get3A_69 = arith.constant 16 : index
        %get3A_70 = tpu.vector_load %arg6[%get3A_68, %get3A_69] {strides = array<i32>} : memref<128x64xf32, #tpu.memory_space<vmem>>, vector<1x16xf32>,
        %get3A_71 = vector.shape_cast %get3A_70 : vector<1x16xf32> to vector<16xf32>
        %swap3A_72 = arith.index_cast %scan3A_60 : i32 to index
        %swap3A_73 = arith.constant 16 : index
        %swap3A_74 = tpu.vector_load %arg8[%swap3A_72, %swap3A_73] {strides = array<i32>} : memref<128x64xf32, #tpu.memory_space<vmem>>, vector<1x16xf32>,
        %swap3A_75 = vector.shape_cast %swap3A_74 : vector<1x16xf32> to vector<16xf32>
        %swap3A_76 = vector.shape_cast %get3A_71 : vector<16xf32> to vector<1x16xf32>
        tpu.vector_store %arg8[%swap3A_72, %swap3A_73], %swap3A_76 {add = true, strides = array<i32>} : memref<128x64xf32, #tpu.memory_space<vmem>>, vector<1x16xf32>,
        %get3A_77 = arith.index_cast %scan3A_60 : i32 to index
        %get3A_78 = arith.constant 32 : index
        %get3A_79 = tpu.vector_load %arg6[%get3A_77, %get3A_78] {strides = array<i32>} : memref<128x64xf32, #tpu.memory_space<vmem>>, vector<1x16xf32>,
        %get3A_80 = vector.shape_cast %get3A_79 : vector<1x16xf32> to vector<16xf32>
        %swap3A_81 = arith.index_cast %scan3A_60 : i32 to index
        %swap3A_82 = arith.constant 32 : index
        %swap3A_83 = tpu.vector_load %arg8[%swap3A_81, %swap3A_82] {strides = array<i32>} : memref<128x64xf32, #tpu.memory_space<vmem>>, vector<1x16xf32>,
        %swap3A_84 = vector.shape_cast %swap3A_83 : vector<1x16xf32> to vector<16xf32>
        %swap3A_85 = vector.shape_cast %get3A_80 : vector<16xf32> to vector<1x16xf32>
        tpu.vector_store %arg8[%swap3A_81, %swap3A_82], %swap3A_85 {add = true, strides = array<i32>} : memref<128x64xf32, #tpu.memory_space<vmem>>, vector<1x16xf32>,
        %get3A_86 = arith.index_cast %scan3A_60 : i32 to index
        %get3A_87 = arith.constant 48 : index
        %get3A_88 = tpu.vector_load %arg6[%get3A_86, %get3A_87] {strides = array<i32>} : memref<128x64xf32, #tpu.memory_space<vmem>>, vector<1x16xf32>,
        %get3A_89 = vector.shape_cast %get3A_88 : vector<1x16xf32> to vector<16xf32>
        %swap3A_90 = arith.index_cast %scan3A_60 : i32 to index
        %swap3A_91 = arith.constant 48 : index
        %swap3A_92 = tpu.vector_load %arg8[%swap3A_90, %swap3A_91] {strides = array<i32>} : memref<128x64xf32, #tpu.memory_space<vmem>>, vector<1x16xf32>,
        %swap3A_93 = vector.shape_cast %swap3A_92 : vector<1x16xf32> to vector<16xf32>
        %swap3A_94 = vector.shape_cast %get3A_89 : vector<16xf32> to vector<1x16xf32>
        tpu.vector_store %arg8[%swap3A_90, %swap3A_91], %swap3A_94 {add = true, strides = array<i32>} : memref<128x64xf32, #tpu.memory_space<vmem>>, vector<1x16xf32>,
      }
      %scan3A_41 = arith.constant 128 : i32
      %add3A_42 = arith.constant 2 : i32
      %add3A_43 = arith.addi %mul3A_22, %add3A_42 : i32
      %lt3A = arith.constant 50 : i32
      %lt3A_44 = arith.cmpi slt, %add3A_43, %lt3A : i32
      %convert_element_type3A = arith.extui %lt3A_44 : i1 to i32
      %cond3A = arith.constant 0 : i32
      %cond3A_45 = arith.cmpi ne, %convert_element_type3A, %cond3A : i32
      scf.if %cond3A_45 {
        %add3A_60 = arith.constant 2 : i32
        %add3A_61 = arith.addi %mul3A_22, %add3A_60 : i32
        %dma_start3A_62 = arith.constant 0 : i32
        %dma_start3A_63 = tpu.memref_slice %arg5[%add3A_61, %dma_start3A_62] : memref<50x128xi32, #tpu.memory_space<vmem>> -> memref<1x128xi32, #tpu.memory_space<vmem>>
        %dma_start3A_64 = tpu.memref_squeeze %dma_start3A_63 : memref<1x128xi32, #tpu.memory_space<vmem>> -> memref<128xi32, #tpu.memory_space<vmem>>
        %dma_start3A_65 = arith.constant 0 : i32
        %dma_start3A_66 = arith.constant 0 : i32
        %dma_start3A_67 = tpu.memref_slice %arg3[%dma_start3A_65, %dma_start3A_66] : memref<1000000x64xf32, #tpu.memory_space<hbm>> -> memref<1000000x64xf32, #tpu.memory_space<hbm>>
        tpu.enqueue_indirect_dma source(%dma_start3A_67 : memref<1000000x64xf32, #tpu.memory_space<hbm>>) target(%arg6 : memref<128x64xf32, #tpu.memory_space<vmem>>) offsets(%dma_start3A_64 : memref<128xi32, #tpu.memory_space<vmem>>) semaphore(%arg9 : memref<!tpu.dma_semaphore, #tpu.memory_space<semaphore_mem>>)
      } else {
      }
      %add3A_46 = arith.constant 1 : i32
      %add3A_47 = arith.addi %mul3A_22, %add3A_46 : i32
      %dma_wait3A_48 = arith.constant 0 : i32
      %dma_wait3A_49 = tpu.memref_slice %arg5[%add3A_47, %dma_wait3A_48] : memref<50x128xi32, #tpu.memory_space<vmem>> -> memref<1x128xi32, #tpu.memory_space<vmem>>
      %dma_wait3A_50 = tpu.memref_squeeze %dma_wait3A_49 : memref<1x128xi32, #tpu.memory_space<vmem>> -> memref<128xi32, #tpu.memory_space<vmem>>
      %dma_wait3A_51 = arith.constant 0 : i32
      %dma_wait3A_52 = arith.constant 0 : i32
      %dma_wait3A_53 = tpu.memref_slice %arg3[%dma_wait3A_51, %dma_wait3A_52] : memref<1000000x64xf32, #tpu.memory_space<hbm>> -> memref<1000000x64xf32, #tpu.memory_space<hbm>>
      tpu.wait_indirect_dma semaphore(%arg10 : memref<!tpu.dma_semaphore, #tpu.memory_space<semaphore_mem>>) src(%dma_wait3A_53 : memref<1000000x64xf32, #tpu.memory_space<hbm>>) dst(%arg7 : memref<128x64xf32, #tpu.memory_space<vmem>>)
      %scan3A_54 = arith.constant 0 : i32
      %scan3A_55 = arith.constant 0 : i32
      %scan3A_56 = arith.constant 128 : i32
      %scan3A_57 = arith.addi %scan3A_55, %scan3A_56 : i32
      %scan3A_58 = arith.constant 1 : i32
      scf.for %scan3A_60 = %scan3A_55 to %scan3A_57 step %scan3A_58  : i32 {
        %get3A = arith.index_cast %scan3A_60 : i32 to index
        %get3A_61 = arith.constant 0 : index
        %get3A_62 = tpu.vector_load %arg7[%get3A, %get3A_61] {strides = array<i32>} : memref<128x64xf32, #tpu.memory_space<vmem>>, vector<1x16xf32>,
        %get3A_63 = vector.shape_cast %get3A_62 : vector<1x16xf32> to vector<16xf32>
        %swap3A = arith.index_cast %scan3A_60 : i32 to index
        %swap3A_64 = arith.constant 0 : index
        %swap3A_65 = tpu.vector_load %arg8[%swap3A, %swap3A_64] {strides = array<i32>} : memref<128x64xf32, #tpu.memory_space<vmem>>, vector<1x16xf32>,
        %swap3A_66 = vector.shape_cast %swap3A_65 : vector<1x16xf32> to vector<16xf32>
        %swap3A_67 = vector.shape_cast %get3A_63 : vector<16xf32> to vector<1x16xf32>
        tpu.vector_store %arg8[%swap3A, %swap3A_64], %swap3A_67 {add = true, strides = array<i32>} : memref<128x64xf32, #tpu.memory_space<vmem>>, vector<1x16xf32>,
        %get3A_68 = arith.index_cast %scan3A_60 : i32 to index
        %get3A_69 = arith.constant 16 : index
        %get3A_70 = tpu.vector_load %arg7[%get3A_68, %get3A_69] {strides = array<i32>} : memref<128x64xf32, #tpu.memory_space<vmem>>, vector<1x16xf32>,
        %get3A_71 = vector.shape_cast %get3A_70 : vector<1x16xf32> to vector<16xf32>
        %swap3A_72 = arith.index_cast %scan3A_60 : i32 to index
        %swap3A_73 = arith.constant 16 : index
        %swap3A_74 = tpu.vector_load %arg8[%swap3A_72, %swap3A_73] {strides = array<i32>} : memref<128x64xf32, #tpu.memory_space<vmem>>, vector<1x16xf32>,
        %swap3A_75 = vector.shape_cast %swap3A_74 : vector<1x16xf32> to vector<16xf32>
        %swap3A_76 = vector.shape_cast %get3A_71 : vector<16xf32> to vector<1x16xf32>
        tpu.vector_store %arg8[%swap3A_72, %swap3A_73], %swap3A_76 {add = true, strides = array<i32>} : memref<128x64xf32, #tpu.memory_space<vmem>>, vector<1x16xf32>,
        %get3A_77 = arith.index_cast %scan3A_60 : i32 to index
        %get3A_78 = arith.constant 32 : index
        %get3A_79 = tpu.vector_load %arg7[%get3A_77, %get3A_78] {strides = array<i32>} : memref<128x64xf32, #tpu.memory_space<vmem>>, vector<1x16xf32>,
        %get3A_80 = vector.shape_cast %get3A_79 : vector<1x16xf32> to vector<16xf32>
        %swap3A_81 = arith.index_cast %scan3A_60 : i32 to index
        %swap3A_82 = arith.constant 32 : index
        %swap3A_83 = tpu.vector_load %arg8[%swap3A_81, %swap3A_82] {strides = array<i32>} : memref<128x64xf32, #tpu.memory_space<vmem>>, vector<1x16xf32>,
        %swap3A_84 = vector.shape_cast %swap3A_83 : vector<1x16xf32> to vector<16xf32>
        %swap3A_85 = vector.shape_cast %get3A_80 : vector<16xf32> to vector<1x16xf32>
        tpu.vector_store %arg8[%swap3A_81, %swap3A_82], %swap3A_85 {add = true, strides = array<i32>} : memref<128x64xf32, #tpu.memory_space<vmem>>, vector<1x16xf32>,
        %get3A_86 = arith.index_cast %scan3A_60 : i32 to index
        %get3A_87 = arith.constant 48 : index
        %get3A_88 = tpu.vector_load %arg7[%get3A_86, %get3A_87] {strides = array<i32>} : memref<128x64xf32, #tpu.memory_space<vmem>>, vector<1x16xf32>,
        %get3A_89 = vector.shape_cast %get3A_88 : vector<1x16xf32> to vector<16xf32>
        %swap3A_90 = arith.index_cast %scan3A_60 : i32 to index
        %swap3A_91 = arith.constant 48 : index
        %swap3A_92 = tpu.vector_load %arg8[%swap3A_90, %swap3A_91] {strides = array<i32>} : memref<128x64xf32, #tpu.memory_space<vmem>>, vector<1x16xf32>,
        %swap3A_93 = vector.shape_cast %swap3A_92 : vector<1x16xf32> to vector<16xf32>
        %swap3A_94 = vector.shape_cast %get3A_89 : vector<16xf32> to vector<1x16xf32>
        tpu.vector_store %arg8[%swap3A_90, %swap3A_91], %swap3A_94 {add = true, strides = array<i32>} : memref<128x64xf32, #tpu.memory_space<vmem>>, vector<1x16xf32>,
      }
      %scan3A_59 = arith.constant 128 : i32
    }
    %scan3A_19 = arith.constant 25 : i32
    "tpu.region"() ({
      %run_scoped3A = tpu.sem_alloc : memref<!tpu.dma_semaphore, #tpu.memory_space<semaphore_mem>>
      %dma_start3A_20 = arith.constant 0 : i32
      %dma_start3A_21 = tpu.memref_slice %arg4[%mul3A_2, %dma_start3A_20] : memref<4096x64xf32, #tpu.memory_space<hbm>> -> memref<128x64xf32, #tpu.memory_space<hbm>>
      %dma_start3A_22 = arith.constant 0 : i32
      %dma_start3A_23 = tpu.memref_slice %arg4[%mul3A_2, %dma_start3A_22] : memref<4096x64xf32, #tpu.memory_space<hbm>> -> memref<128x64xf32, #tpu.memory_space<hbm>>
      tpu.enqueue_dma source(%arg8 : memref<128x64xf32, #tpu.memory_space<vmem>>) target(%dma_start3A_23 : memref<128x64xf32, #tpu.memory_space<hbm>>) target_semaphore(%run_scoped3A : memref<!tpu.dma_semaphore, #tpu.memory_space<semaphore_mem>>)
      %dma_wait3A = arith.constant 0 : i32
      %dma_wait3A_24 = tpu.memref_slice %arg4[%mul3A_2, %dma_wait3A] : memref<4096x64xf32, #tpu.memory_space<hbm>> -> memref<128x64xf32, #tpu.memory_space<hbm>>
      %dma_wait3A_25 = arith.constant 0 : i32
      %dma_wait3A_26 = tpu.memref_slice %arg4[%mul3A_2, %dma_wait3A_25] : memref<4096x64xf32, #tpu.memory_space<hbm>> -> memref<128x64xf32, #tpu.memory_space<hbm>>
      tpu.wait_dma2 semaphore(%run_scoped3A : memref<!tpu.dma_semaphore, #tpu.memory_space<semaphore_mem>>) src(%arg8 : memref<128x64xf32, #tpu.memory_space<vmem>>) dst(%dma_wait3A_26 : memref<128x64xf32, #tpu.memory_space<hbm>>)
      tpu.yield
    }) : () -> ()
    return
  }
}

</mosaic_0001>

<sc_bundles>
// kernel: _pool.3.cloned.1.call-start
scs
__scs_entry_jumppad:
0x0: {  	(pc) =	sbr.rel $0x88, $3  }
0x1: {  	(tag) =	ssettag $0x0;
	lr =	simm.s32 $0x1  }
0x2: {  	[smem:$0x3F9F] =	sst lr;
	_ =	strace $0xD0000000  }
0x3: {  	_ = 	snop  }
0x4: {  	_ = 	snop  }
0x5: {  	_ = 	snop  }
0x6: {  	_ = 	snop  }
0x7: {  	_ = 	snop  }
__scs_overlays_trampoline_lowered:
0x8: {  	[smem:$0x3FAE] =	sst s0  }
0x9: {  	[smem:$0x3FAF] =	sst s1  }
0xa: {  	[smem:$0x3FB0] =	sst s2  }
0xb: {  	[smem:$0x3FB1] =	sst s3  }
0xc: {  	[smem:$0x3FB2] =	sst s4  }
0xd: {  	[smem:$0x3FB3] =	sst s5  }
0xe: {  	[smem:$0x3FB4] =	sst s6  }
0xf: {  	[smem:$0x3FB5] =	sst s7  }
0x10: {  	[smem:$0x3FB6] =	sst s8  }
0x11: {  	[smem:$0x3FB7] =	sst s9;
	s0 =	simm.s32 @!p0 $0x0  }
0x12: {  	s1 =	sld [smem:$0x3F9D];
	s0 =	simm.s32 @p0 $0x1  }
0x13: {  	[smem:$0x3FB8] =	sst s0;
	s0 =	simm.s32 @!p1 $0x0  }
0x14: {  	s2 =	sld [smem:$0x3F9C];
	s0 =	simm.s32 @p1 $0x1  }
0x15: {  	[smem:$0x3FB9] =	sst s0;
	s0 =	simm.s32 @!p2 $0x0  }
0x16: {  	s3 =	sld [smem:$0x3FDB];
	s0 =	simm.s32 @p2 $0x1  }
0x17: {  	s4 =	simm.s32 $0x1BF5;
	[smem:$0x3FBB] =	sst s0  }
0x18: {  	s0 =	sld [smem:$0x3F9E];
	_ =	swait.ge [sflag:s4], $0x0  }
0x19: {  	s7 =	sld [smem:$0x3F9F]  }
0x1a: {  	s8 =	sadd.s32 $0xFFFFE003, lr  }
0x1b: {  	s9 =	sadd.s32 $0xFFFFFEF7, lr;
	s5 =	simm.s32 $0xFFFFFFFF;
	p2 =	slt.u32 s8, $0xFFFFF086  }
0x1c: {  	p1 =	slt.u32 s9, $0xF7A;
	s5 =	simm.s32 @!p2 $0x0  }
0x1d: {  	s5 =	simm.s32 @p1 $0x1;
	p0 =	seq.s32 s7, s2  }
0x1e: {  	s7 =	smul.u32 @!p0 $0xF7A, s2;
	p2 =	seq.s32 @!p0 s5, $0x0  }
0x1f: {  	s9 =	smul.u32 $0xF7A, s1;
	s8 =	simm.s32 @!p0 $0x1BF5;
	p2 =	por !p2, p0  }
0x20: {  	[sflag:s8] =	ssyncset.s32 @!p0 $0xFFFFF086;
	s6 =	sadd.s32 @!p0 s3, s7;
	s7 =	simm.s32 @!p0 $0x108  }
0x21: {  	s3 =	sadd.s32 s3, s9;
	s6 =	sadd.s32 @!p0 $0x88, s6;
	s7 =	simm.s32 @p2 $0x1082  }
0x22: {  	[simem:s7], [sflag:s8] =	dma.local @!p0 [hbm:s6], $0xF7A  }
0x23: {  	s9 =	sor.u32 $0xD0000000, s2;
	s6 =	simm.s32 $0x108;
	_ =	swait.ge @!p0 [sflag:s8], $0x0  }
0x24: {  	s3 =	sadd.s32 $0x88, s3;
	s6 =	simm.s32 @!p1 $0x1082;
	[sflag:s4] =	ssyncset.s32 $0xFFFFF086  }
0x25: {  	[simem:s6], [sflag:s4] =	dma.local [hbm:s3], $0xF7A  }
0x26: {  	[smem:$0x3F9F] =	sst s1;
	(tag) =	ssettag s2;
	_ =	strace s9  }
0x27: {  	s1 =	sld [smem:$0x3FAF]  }
0x28: {  	s2 =	sld [smem:$0x3FB0]  }
0x29: {  	s4 =	sld [smem:$0x3FB2]  }
0x2a: {  	p0 =	seq.s32 s5, $0x0;
	s5 =	sld [smem:$0x3FB3]  }
0x2b: {  	s6 =	sld [smem:$0x3FB4]  }
0x2c: {  	s7 =	sld [smem:$0x3FB5]  }
0x2d: {  	s3 =	simm.s32 $0x108;
	s8 =	sld [smem:$0x3FB6]  }
0x2e: {  	s3 =	simm.s32 @!p0 $0x1082;
	s9 =	sld [smem:$0x3FB7]  }
0x2f: {  	lr =	sadd.s32 s0, s3;
	s0 =	sld [smem:$0x3FAE]  }
0x30: {  	s3 =	sld [smem:$0x3FB1]  }
0x31: {  	[smem:$0x3FBA] =	sst s10  }
0x32: {  	s10 =	sld [smem:$0x3FB8];
	_ =	sdelay $0x3  }
0x33: {  	p0 =	seq.s32 s10, $0x1;
	s10 =	sld [smem:$0x3FBA];
	_ =	sdelay $0x3  }
0x34: {  	[smem:$0x3FBA] =	sst s10  }
0x35: {  	s10 =	sld [smem:$0x3FB9];
	_ =	sdelay $0x3  }
0x36: {  	p1 =	seq.s32 s10, $0x1;
	s10 =	sld [smem:$0x3FBA];
	_ =	sdelay $0x3  }
0x37: {  	[smem:$0x3FBA] =	sst s10  }
0x38: {  	s10 =	sld [smem:$0x3FBB]  }
0x39: {  	_ = 	snop;
	(pc) =	sbr.ind lr, $3  }
0x3a: {  	_ = 	snop  }
0x3b: {  	_ = 	snop  }
0x3c: {  	p2 =	seq.s32 s10, $0x1;
	s10 =	sld [smem:$0x3FBA]  }
0x3d: {  	_ =	shalt  }
0x3e: {  	_ =	shalt  }
0x3f: {  	_ =	shalt  }
0x40: {  	_ =	shalt  }
0x41: {  	_ =	shalt  }
0x42: {  	_ =	shalt  }
0x43: {  	_ =	shalt  }
0x44: {  	_ =	shalt  }
0x45: {  	_ =	shalt  }
0x46: {  	_ =	shalt  }
0x47: {  	_ =	shalt  }
0x48: {  	_ =	shalt  }
0x49: {  	_ =	shalt  }
0x4a: {  	_ =	shalt  }
0x4b: {  	_ =	shalt  }
0x4c: {  	_ =	shalt  }
0x4d: {  	_ =	shalt  }
0x4e: {  	_ =	shalt  }
0x4f: {  	_ =	shalt  }
0x50: {  	_ =	shalt  }
0x51: {  	_ =	shalt  }
0x52: {  	_ =	shalt  }
0x53: {  	_ =	shalt  }
0x54: {  	_ =	shalt  }
0x55: {  	_ =	shalt  }
0x56: {  	_ =	shalt  }
0x57: {  	_ =	shalt  }
0x58: {  	_ =	shalt  }
0x59: {  	_ =	shalt  }
0x5a: {  	_ =	shalt  }
0x5b: {  	_ =	shalt  }
0x5c: {  	_ =	shalt  }
0x5d: {  	_ =	shalt  }
0x5e: {  	_ =	shalt  }
0x5f: {  	_ =	shalt  }
0x60: {  	_ =	shalt  }
0x61: {  	_ =	shalt  }
0x62: {  	_ =	shalt  }
0x63: {  	_ =	shalt  }
0x64: {  	_ =	shalt  }
0x65: {  	_ =	shalt  }
0x66: {  	_ =	shalt  }
0x67: {  	_ =	shalt  }
0x68: {  	_ =	shalt  }
0x69: {  	_ =	shalt  }
0x6a: {  	_ =	shalt  }
0x6b: {  	_ =	shalt  }
0x6c: {  	_ =	shalt  }
0x6d: {  	_ =	shalt  }
0x6e: {  	_ =	shalt  }
0x6f: {  	_ =	shalt  }
0x70: {  	_ =	shalt  }
0x71: {  	_ =	shalt  }
0x72: {  	_ =	shalt  }
0x73: {  	_ =	shalt  }
0x74: {  	_ =	shalt  }
0x75: {  	_ =	shalt  }
0x76: {  	_ =	shalt  }
0x77: {  	_ =	shalt  }
0x78: {  	_ =	shalt  }
0x79: {  	_ =	shalt  }
0x7a: {  	_ =	shalt  }
0x7b: {  	_ =	shalt  }
0x7c: {  	_ =	shalt  }
0x7d: {  	_ =	shalt  }
0x7e: {  	_ =	shalt  }
0x7f: {  	_ =	shalt  }
0x80: {  	_ =	shalt  }
0x81: {  	_ =	shalt  }
0x82: {  	_ =	shalt  }
0x83: {  	_ =	shalt  }
0x84: {  	_ =	shalt  }
0x85: {  	_ =	shalt  }
0x86: {  	_ =	shalt  }
0x87: {  	_ =	shalt  }
.Lfunc_end0:
.L_simem_size_0:
called_computation_lowered:
.L_overlay_start_0:
0x88: {  	s2 =	sld [smem:$0x3FD9]  }
0x89: {  	s3 =	sld [smem:$0x3FFE];
	_ =	sdelay $0x1  }
0x8a: {  	s1 =	srdreg.scid  }
0x8b: {  	s0 =	sand.u32 $0x1, s1  }
0x8c: {  	s17 =	sshll.u32 s0, $0xA;
	s2 =	sadd.s32 s3, s2  }
0x8d: {  	s2 =	sadd.s32 s2, s17  }
0x8e: {  	[smem:$0x3FC6] =	sst s2  }
0x8f: {  	_ = 	snop  }
0x90: {  	s2 =	sld [smem:$0x3FD0];
	(tm) =	ssettm $0x1  }
0x91: {  	s18 =	sld [smem:$0x3FFB];
	_ =	sdelay $0x3  }
0x92: {  	_ =	strace s18  }
0x93: {  	s3 =	sld [smem:$0x3FFC];
	_ =	sdelay $0x3  }
0x94: {  	_ =	strace s3  }
0x95: {  	s3 =	sld [smem:$0x3FFD];
	_ =	sdelay $0x3  }
0x96: {  	_ =	strace s3  }
0x97: {  	_ =	strace $0x8FFFFFFF  }
0x98: {  	s19 =	sld [smem:$0x3FDB];
	_ =	sdelay $0x1  }
0x99: {  	s4 =	simm.s32 $_scs_section_size  }
0x9a: {  	s5 =	simm.s32 $_size__tile_overlayer_lowered;
	s6 =	simm.s32 $_tile_overlayer_lowered  }
0x9b: {  	s22 =	simm.s32 $0x1BFF;
	s21 =	sshll.u32 s6, $0x1;
	s3 =	sadd.s32 s4, s19  }
0x9c: {  	s7 =	simm.s32 $0x0;
	s20 =	sshll.u32 s5, $0x1;
	s5 =	sadd.s32 s21, s3  }
0x9d: {  	[timem:s7], [sflag:s22] =	dma.local [hbm:s5], s20  }
0x9e: {  	_ =	swait.ge [sflag:s22], s20  }
0x9f: {  	s4 =	ssub.s32 $0x0, s20;
	[sflag:s22] =	ssyncset.done $0x0  }
0xa0: {  	[sflag:s22] =	ssyncadd.s32 s4;
	_ =	sdelay $0x1  }
0xa1: {  	s23 =	simm.s32 $0x1B8B  }
0xa2: {  	_ =	swait.ge [sflag:s23], $0x1  }
0xa3: {  	[sflag:s23] =	ssyncset.done $0x0  }
0xa4: {  	s25 =	simm.s32 $0x1B8E;
	s24 =	sld [smem:$0x3FFE];
	[sflag:s23] =	ssyncadd.s32 $0xFFFFFFFF  }
0xa5: {  	s26 =	simm.s32 $execute0_lowered;
	[smem:$0x3FD2] =	sst s25  }
0xa6: {  	s5 =	sshll.u32 s26, $0x1;
	_ =	strace $0x80000046;
	[dreg:$0x1] =	wrdreg $0xFFFFFFFF  }
0xa7: {  	s28 =	simm.s32 $_size_execute0_lowered;
	s3 =	sadd.s32 s3, s5;
	[dreg:$0x0] =	wrdreg $0x0  }
0xa8: {  	s5 =	sshll.u32 s28, $0x1;
	[dreg:$0x2] =	wrdreg s3  }
0xa9: {  	[dreg:$0x3] =	wrdreg s5  }
0xaa: {  	[dreg:$0x4] =	wrdreg $0xC0  }
0xab: {  	_ =	task [dreg:s7], $0x5FFFF  }
0xac: {  	[dreg:$0x1] =	wrdreg $0xFFFFFFFF  }
0xad: {  	[dreg:$0x0] =	wrdreg $0x60  }
0xae: {  	[dreg:$0x2] =	wrdreg s24  }
0xaf: {  	[dreg:$0x3] =	wrdreg s2  }
0xb0: {  	[dreg:$0x4] =	wrdreg $0x9  }
0xb1: {  	_ =	task.clear_ibuf [dreg:s7], $0x5FFFF;
	_ =	strace $0x90000046  }
0xb2: {  	s29 =	simm.s32 $0x9;
	_ =	strace $0x80000048  }
0xb3: {  	_ =	swait.ge [sflag:s29], $0x1  }
0xb4: {  	[sflag:s29] =	ssyncadd.s32 $0xFFFFFFFF  }
0xb5: {  	_ =	strace $0x90000048  }
0xb6: {  	_ =	sfence  }
0xb7: {  	s30 =	sld [smem:$0x0];
	_ =	sdelay $0x2  }
0xb8: {  	s31 =	sshll.u32 s1, $0xD;
	s1 =	sshrl.u32 s1, $0x2  }
0xb9: {  	s3 =	sand.u32 $0x4000, s31;
	s1 =	sadd.s32 s1, s30  }
0xba: {  	s0 =	sor.u32 s3, s0;
	s1 =	sshll.u32 s1, $0x11  }
0xbb: {  	s0 =	sor.u32 s1, s0  }
0xbc: {  	s0 =	sadd.s32 $0x8F2B, s0  }
0xbd: {  	[sflag:s0] =	ssyncadd.remote.s32 $0x1  }
0xbe: {  	_ =	sfence.sel $0xFFFF  }
0xbf: {  	[dreg:$0x0] =	wrdreg $0xFFFFFFFF;
	(pc) =	sbr.abs _section_cstart, $3  }
0xc0: {  	[dreg:$0x1] =	wrdreg $0xFFFFFFFF  }
0xc1: {  	_ =	task.clear_ibuf [dreg:s7], $0x2FFFF;
	_ =	strace $0x9FFFFFFF  }
0xc2: {  	(tm) =	ssettm $0x7FFFFFFF  }
0xc3: {  	_ =	shalt  }
tec
execute0_lowered:
.L_overlay_start_1:
0x0: {  	(tag) =	ssettag $0x1  }
0x1: {  	s1 =	srdreg.scid;
	s3 =	rddreg [dreg:$0x0]  }
0x2: {  	s0 =	stileid.u32;
	s5 =	rddreg [dreg:$0x1]  }
0x3: {  	s2 =	simm.s32 $0x0;
	s9 =	simm.s32 $0x3;
	s10 =	simm.s32 $0x1900  }
0x4: {  	s11 =	simm.s32 $0x3900;
	s12 =	simm.s32 $0x1;
	s13 =	simm.s32 $0x2  }
0x5: {  	s14 =	simm.s32 $0x5900;
	s15 =	simm.s32 $0x0;
	s4 =	sand.u32 $0x1, s1  }
0x6: {  	s6 =	sshll.u32 s0, $0x8;
	s1 =	rddreg [dreg:$0x2];
	s7 =	sshll.u32 s4, $0x7  }
0x7: {  	[smem:$0x7FF] =	sst s2;
	s4 =	ssub.s32 $0x2, s4;
	s6 =	sor.u32 s7, s6  }
0x8: {  	_ =	strace $0x80000047;
	s8 =	sshrl.u32 s4, $0x1;
	s7 =	sshrl.u32 s6, $0x3  }
0x9: {  	s8 =	ssub.s32 s4, s8;
	s6 =	sshll.u32 s6, $0x3;
	s7 =	sadd.s32 s7, s3  }
0xa: {  	s3 =	sadd.s32 $0xF42A00, s3;
	s5 =	sadd.s32 s5, s6;
	s6 =	smax.u32 s8, $0x1  }
0xb: {  	v0 =	vimm.f32 $0.0e+00;
	s8 =	simm.s32 $0x1000;
	s4 =	sadd.s32 $0x600, s7;
	s7 =	simm.s32 $0x80  }
.LBB2_1:
0xc: {  	[tilespmem:s2], [sflag:$0x3] =	stream.strided.gather [hbm4b:s4+s7], $0x1900, s8, s7, $0x38;
	[tilespmem:$0x7900] =	vst v63  }
0xd: {  	_ =	swait.ge [sflag:s9], $0x1900  }
0xe: {  	[sflag:s9] =	ssyncset.done $0x0  }
0xf: {  	s17 =	simm.s32 $0x100;
	s16 =	simm.s32 $0x0;
	[sflag:s9] =	ssyncadd.s32 $0xFFFFE700  }
.LBB2_2:
0x10: {  	p0 =	sne.s32 s17, $0x7F00;
	[tilespmem:s16+$0x5930] =	vst v0;
	s18 =	smov.u32 s17;
	s17 =	sadd.s32 $0x100, s17  }
.Ltmp0:
0x11: {  	[tilespmem:s16+$0x5920] =	vst v0;
	(pc) =	sbr.rel @p0 .LBB2_2-.Ltmp0, $3  }
0x12: {  	[tilespmem:s16+$0x5900] =	vst v0  }
0x13: {  	[tilespmem:s16+$0x5910] =	vst v0;
	_ =	sdelay $0x1  }
0x14: {  	s16 =	sshra.s32 s18, $0x2  }
0x15: {  	[tilespmem:s16+$0x5930] =	vst v0  }
0x16: {  	[tilespmem:s16+$0x5920] =	vst v0  }
0x17: {  	[tilespmem:s16+$0x5900] =	vst v0  }
0x18: {  	[tilespmem:s16+$0x5910] =	vst v0;
	s16 =	simm.s32 $0x0  }
0x19: {  	[tilespmem:s10], [sflag:$0x1] =	stream.indirect.gather [hbm4b:s3+s7], $0x40, s16, s7, $0xb8;
	[tilespmem:$0x7900] =	vst v63  }
.LBB2_4:
0x1a: {  	s17 =	sshll.u32 s16, $0x8  }
0x1b: {  	s17 =	sand.u32 $0x3FFFFF00, s17  }
0x1c: {  	s18 =	sor.u32 $0x80, s17  }
0x1d: {  	[tilespmem:s11], [sflag:$0x2] =	stream.indirect.gather [hbm4b:s3+s7], $0x40, s18, s7, $0xb8;
	[tilespmem:$0x7900] =	vst v63  }
0x1e: {  	_ =	swait.ge [sflag:s12], $0x2000  }
0x1f: {  	[sflag:s12] =	ssyncset.done $0x0  }
0x20: {  	s18 =	simm.s32 $0x0;
	[sflag:s12] =	ssyncadd.s32 $0xFFFFE000  }
0x21: {  	v2 =	vld [tilespmem:s18+$0x1930]  }
0x22: {  	v3 =	vld [tilespmem:s18+$0x1900]  }
0x23: {  	v4 =	vld [tilespmem:s18+$0x1910]  }
0x24: {  	v1 =	vld [tilespmem:s18+$0x1920];
	_ =	sdelay $0x1  }
0x25: {  	[tilespmem:s18+$0x5930] =	vst.add.f32.msk $0xffff, v2  }
0x26: {  	[tilespmem:s18+$0x5900] =	vst.add.f32.msk $0xffff, v3  }
0x27: {  	s19 =	simm.s32 $0x40;
	s20 =	simm.s32 $0x200;
	[tilespmem:s18+$0x5910] =	vst.add.f32.msk $0xffff, v4  }
.LBB2_5:
0x28: {  	p0 =	sne.s32 s20, $0x7F00;
	v2 =	vld [tilespmem:s19+$0x1930];
	v3 =	vmov v1  }
0x29: {  	v4 =	vld [tilespmem:s19+$0x1900]  }
0x2a: {  	v5 =	vld [tilespmem:s19+$0x1910]  }
.Ltmp1:
0x2b: {  	v1 =	vld [tilespmem:s19+$0x1920];
	(pc) =	sbr.rel @p0 .LBB2_5-.Ltmp1, $4  }
0x2c: {  	[tilespmem:s18+$0x5920] =	vst.add.f32.msk $0xffff, v3;
	s18 =	smov.u32 s19  }
0x2d: {  	[tilespmem:s18+$0x5930] =	vst.add.f32.msk $0xffff, v2  }
0x2e: {  	[tilespmem:s18+$0x5900] =	vst.add.f32.msk $0xffff, v4  }
0x2f: {  	s19 =	sshra.s32 s20, $0x2;
	s20 =	sadd.s32 $0x100, s20;
	[tilespmem:s18+$0x5910] =	vst.add.f32.msk $0xffff, v5  }
0x30: {  	v2 =	vld [tilespmem:s19+$0x1930]  }
0x31: {  	v3 =	vld [tilespmem:s19+$0x1900]  }
0x32: {  	v4 =	vld [tilespmem:s19+$0x1910]  }
0x33: {  	v5 =	vld [tilespmem:s19+$0x1920]  }
0x34: {  	[tilespmem:s18+$0x5920] =	vst.add.f32.msk $0xffff, v1  }
0x35: {  	[tilespmem:s19+$0x5930] =	vst.add.f32.msk $0xffff, v2  }
0x36: {  	[tilespmem:s19+$0x5900] =	vst.add.f32.msk $0xffff, v3  }
0x37: {  	p0 =	seq.s32 s16, $0x18;
	[tilespmem:s19+$0x5910] =	vst.add.f32.msk $0xffff, v4  }
0x38: {  	s17 =	sadd.s32 @!p0 $0x100, s17;
	s18 =	simm.s32 @!p0 $0x80;
	[tilespmem:s19+$0x5920] =	vst.add.f32.msk $0xffff, v5;
	s19 =	simm.s32 @!p0 $0x1900  }
0x39: {  	[tilespmem:s19], [sflag:$0x1] =	stream.indirect.gather @!p0 [hbm4b:s3+s18], $0x40, s17, s18, $0xb8;
	[tilespmem:$0x7900] =	vst v63  }
0x3a: {  	_ =	swait.ge [sflag:s13], $0x2000  }
0x3b: {  	[sflag:s13] =	ssyncset.done $0x0  }
0x3c: {  	s17 =	simm.s32 $0x0;
	[sflag:s13] =	ssyncadd.s32 $0xFFFFE000  }
0x3d: {  	v2 =	vld [tilespmem:s17+$0x3930]  }
0x3e: {  	v3 =	vld [tilespmem:s17+$0x3900]  }
0x3f: {  	v63 =	vld [tilespmem:s17+$0x3910]  }
0x40: {  	v1 =	vld [tilespmem:s17+$0x3920];
	_ =	sdelay $0x1  }
0x41: {  	[tilespmem:s17+$0x5930] =	vst.add.f32.msk $0xffff, v2  }
0x42: {  	[tilespmem:s17+$0x5900] =	vst.add.f32.msk $0xffff, v3  }
0x43: {  	s18 =	simm.s32 $0x40;
	s19 =	simm.s32 $0x200;
	[tilespmem:s17+$0x5910] =	vst.add.f32.msk $0xffff, v63  }
.LBB2_7:
0x44: {  	p0 =	sne.s32 s19, $0x7F00;
	v2 =	vld [tilespmem:s18+$0x3930];
	v3 =	vmov v1  }
0x45: {  	v4 =	vld [tilespmem:s18+$0x3900]  }
0x46: {  	v5 =	vld [tilespmem:s18+$0x3910]  }
.Ltmp2:
0x47: {  	v1 =	vld [tilespmem:s18+$0x3920];
	(pc) =	sbr.rel @p0 .LBB2_7-.Ltmp2, $4  }
0x48: {  	[tilespmem:s17+$0x5920] =	vst.add.f32.msk $0xffff, v3;
	s17 =	smov.u32 s18  }
0x49: {  	[tilespmem:s17+$0x5930] =	vst.add.f32.msk $0xffff, v2  }
0x4a: {  	[tilespmem:s17+$0x5900] =	vst.add.f32.msk $0xffff, v4  }
0x4b: {  	s18 =	sshra.s32 s19, $0x2;
	s19 =	sadd.s32 $0x100, s19;
	[tilespmem:s17+$0x5910] =	vst.add.f32.msk $0xffff, v5  }
0x4c: {  	v2 =	vld [tilespmem:s18+$0x3930]  }
0x4d: {  	v3 =	vld [tilespmem:s18+$0x3900]  }
0x4e: {  	v4 =	vld [tilespmem:s18+$0x3910];
	s16 =	sadd.s32 $0x1, s16  }
0x4f: {  	v5 =	vld [tilespmem:s18+$0x3920];
	p0 =	sne.s32 s16, $0x19  }
.Ltmp3:
0x50: {  	[tilespmem:s17+$0x5920] =	vst.add.f32.msk $0xffff, v1;
	(pc) =	sbr.rel @p0 .LBB2_4-.Ltmp3, $4  }
0x51: {  	[tilespmem:s18+$0x5930] =	vst.add.f32.msk $0xffff, v2  }
0x52: {  	[tilespmem:s18+$0x5900] =	vst.add.f32.msk $0xffff, v3  }
0x53: {  	[tilespmem:s18+$0x5910] =	vst.add.f32.msk $0xffff, v4  }
0x54: {  	[tilespmem:s18+$0x5920] =	vst.add.f32.msk $0xffff, v5  }
0x55: {  	s15 =	sadd.s32 $0x1, s15  }
0x56: {  	p0 =	sne.s32 s15, s6  }
.Ltmp4:
0x57: {  	_ = 	snop;
	(pc) =	sbr.rel @p0 .LBB2_1-.Ltmp4, $4  }
0x58: {  	[hbm4b:s5+s2] =	stream.linear.scatter [tilespmem:s14], [sflag:$0x3], $0x2000, $0x38;
	[tilespmem:$0x7900] =	vst v63  }
0x59: {  	_ =	swait.ge [sflag:s9], $0x2000  }
0x5a: {  	[sflag:s9] =	ssyncset.done $0x0  }
0x5b: {  	[sflag:s9] =	ssyncadd.s32 $0xFFFFE000  }
0x5c: {  	_ =	sfence.sel $0x180000  }
0x5d: {  	[bflag:$0x0] =	sbarrier.arrive $0xFFFF  }
0x5e: {  	p0 =	sne.s32 s0, $0x0;
	_ =	strace $0x90000047  }
0x5f: {  	s0 =	sadd.s32 @!p0 $0x100000, s1;
	[bflag:$0x2] =	sbarrier.arrive $0xFFFF  }
0x60: {  	[sflag:s0] =	ssyncadd.tile.s32 @!p0 $0x1;
	_ =	shalt  }
.Lfunc_end2:
_tile_overlayer_lowered:
.L_overlay_start_2:
0x61: {  	(tag) =	ssettag $0x2  }
0x62: {  	s0 =	rddreg [dreg:$0x0];
	s2 =	stileid.u32  }
0x63: {  	s1 =	rddreg [dreg:$0x1];
	p0 =	sne.s32 s2, $0x0  }
0x64: {  	s3 =	rddreg [dreg:$0x2];
	[bflag:$0x3] =	sbarrier.arrive $0xFFFF;
	s2 =	simm.s32 @!p0 $0x1C03  }
0x65: {  	[timem:s3], [sflag:s2] =	dma.local @!p0 [hbm:s0], s1  }
0x66: {  	s0 =	simm.s32 @!p0 $0x3  }
0x67: {  	_ =	swait.ge @!p0 [sflag:s0], s1  }
0x68: {  	s1 =	ssub.s32 @!p0 $0x0, s1;
	[sflag:s0] =	ssyncset.done @!p0 $0x0  }
0x69: {  	[sflag:s0] =	ssyncadd.s32 @!p0 s1  }
0x6a: {  	[bflag:$0x3] =	sbarrier.arrive $0xFFFF  }
0x6b: {  	_ =	shalt  }

</sc_bundles>
